<compile_context>
chip_gen: v7x
topology: tpu7x:2x2x1
jax: 0.10.2.dev20260603
libtpu: 0.0.44.dev20260713+nightly
codegen_flags: <defaults>
</compile_context>

<pallas_src>
import functools

import jax
import jax.numpy as jnp
from jax import lax
from jax.experimental import pallas as pl
from jax.experimental.pallas import tpu as pltpu
from jax.experimental.pallas import tpu_sc as plsc

_EPS = 1e-5
_T = 4
_NC = 2
_NS = 16


def _sc_gather(emb, x):
    b, s = x.shape
    _, d = emb.shape
    n = b * s
    nw = _NC * _NS
    b_per_w = n // nw
    per_row = s // b_per_w
    mesh = plsc.VectorSubcoreMesh(core_axis_name="c", subcore_axis_name="s")

    half = b_per_w // 2

    @functools.partial(
        pl.kernel,
        mesh=mesh,
        out_type=jax.ShapeDtypeStruct((n, d), emb.dtype),
        scratch_types=[
            pltpu.VMEM((b_per_w,), jnp.int32),
            pltpu.VMEM((half, d), emb.dtype),
            pltpu.VMEM((half, d), emb.dtype),
            pltpu.SemaphoreType.DMA,
            pltpu.SemaphoreType.DMA,
            pltpu.SemaphoreType.DMA,
        ],
    )
    def gather_kernel(table_hbm, idx_hbm, out_hbm, idx_v, rows_v0, rows_v1,
                      sem0, sem1, sem2):
        wid = lax.axis_index("s") * _NC + lax.axis_index("c")
        row = wid // per_row
        col = (wid % per_row) * b_per_w
        base = wid * b_per_w
        pltpu.sync_copy(idx_hbm.at[row, pl.ds(col, b_per_w)], idx_v)
        g0 = pltpu.async_copy(table_hbm.at[idx_v.at[pl.ds(0, half)]], rows_v0, sem0)
        g1 = pltpu.async_copy(table_hbm.at[idx_v.at[pl.ds(half, half)]], rows_v1, sem1)
        g0.wait()
        w0 = pltpu.async_copy(rows_v0, out_hbm.at[pl.ds(base, half)], sem2)
        g1.wait()
        pltpu.sync_copy(rows_v1, out_hbm.at[pl.ds(base + half, half)])
        w0.wait()

    return gather_kernel(emb, x)


def _ln_body(g_ref, poe_ref, gam_ref, bet_ref, o_hbm, y0, y1, sem0, sem1):
    i = pl.program_id(0)
    n = pl.num_programs(0)
    v = g_ref[0] + poe_ref[...]
    mean = jnp.mean(v, axis=-1, keepdims=True)
    c = v - mean
    var = jnp.mean(c * c, axis=-1, keepdims=True)
    y = c * lax.rsqrt(var + _EPS) * gam_ref[...] + bet_ref[...]

    def issue(scr, sem):
        scr[...] = y
        for t in range(_T):
            pltpu.make_async_copy(scr, o_hbm.at[t, i], sem).start()

    def drain(scr, sem):
        for t in range(_T):
            pltpu.make_async_copy(scr, o_hbm.at[t, i], sem).wait()

    @pl.when(i % 2 == 0)
    def _():
        @pl.when(i >= 2)
        def _():
            drain(y0, sem0)

        issue(y0, sem0)

    @pl.when(i % 2 == 1)
    def _():
        @pl.when(i >= 2)
        def _():
            drain(y1, sem1)

        issue(y1, sem1)

    @pl.when(i == n - 1)
    def _():
        @pl.when(i % 2 == 0)
        def _():
            drain(y0, sem0)
            @pl.when(n >= 2)
            def _():
                drain(y1, sem1)

        @pl.when(i % 2 == 1)
        def _():
            drain(y1, sem1)
            @pl.when(n >= 2)
            def _():
                drain(y0, sem0)


def _ln_tile(gathered, poe, gamma, beta, b, s, d):
    return pl.pallas_call(
        _ln_body,
        grid=(b,),
        in_specs=[
            pl.BlockSpec((1, s, d), lambda i: (i, 0, 0)),
            pl.BlockSpec((s, d), lambda i: (0, 0)),
            pl.BlockSpec((1, d), lambda i: (0, 0)),
            pl.BlockSpec((1, d), lambda i: (0, 0)),
        ],
        out_specs=pl.BlockSpec(memory_space=pltpu.MemorySpace.HBM),
        out_shape=jax.ShapeDtypeStruct((_T, b, s, d), jnp.float32),
        scratch_shapes=[
            pltpu.VMEM((s, d), jnp.float32),
            pltpu.VMEM((s, d), jnp.float32),
            pltpu.SemaphoreType.DMA,
            pltpu.SemaphoreType.DMA,
        ],
    )(gathered.reshape(b, s, d), poe, gamma.reshape(1, d), beta.reshape(1, d))


def kernel(x, emb, poe, gamma, beta):
    b, s = x.shape
    _, d = emb.shape
    gathered = _sc_gather(emb, x)
    return _ln_tile(gathered, poe, gamma, beta, b, s, d)

# --- scband reference (transcript-rebuilt; emitter-appended) ---
"""Pipeline reference for scband-encoding-layer-35407710388879 (READ-ONLY COPY).

The authoritative reference and input builder live on the scoring server;
editing this copy changes nothing except your own understanding.
"""

import jax, jax.numpy as jnp
import numpy as np

VOCAB = 100000
EMBED = 128
CTX = 2048
T = 4
B = 4
EPS = 1e-5

def setup_inputs(seed: int = 0) -> dict:
    key = jax.random.key(seed)
    k1, k2, k3 = jax.random.split(key, 3)
    x = jax.random.randint(k1, (B, CTX), 0, VOCAB, dtype=jnp.int32)
    emb = jax.random.normal(k2, (VOCAB, EMBED), dtype=jnp.float32) * 0.02
    poe = jnp.zeros((CTX, EMBED), dtype=jnp.float32)
    gamma = jnp.ones((EMBED,), dtype=jnp.float32)
    beta = jnp.zeros((EMBED,), dtype=jnp.float32)
    return {"x": x, "emb": emb, "poe": poe, "gamma": gamma, "beta": beta}

def reference(x, emb, poe, gamma, beta):
    # out = self.emb(x)  -> gather rows of embedding table
    out = jnp.take(emb, x, axis=0)            # [B, S, D]
    # out = out + self.poe  (S == ctx_len)
    out = out + poe                            # broadcast [S, D]
    # out = out.unsqueeze(0).repeat(T, 1, 1, 1)
    out = jnp.tile(out[None, ...], (T, 1, 1, 1))  # [T, B, S, D]
    # out = self.ln(out)  -> LayerNorm over last dim
    mean = jnp.mean(out, axis=-1, keepdims=True)
    var = jnp.var(out, axis=-1, keepdims=True)
    out = (out - mean) / jnp.sqrt(var + EPS)
    out = out * gamma + beta
    return out

if __name__ == "__main__":
    import jax
    _d = setup_inputs()
    print(jax.jit(kernel)(*tuple(_d.values())))

</pallas_src>

<mosaic_0001>
#map = affine_map<(d0, d1) -> (0, 0)>
module attributes {stable_mosaic.version = 14 : i64} {
  func.func @gather_kernel(%arg0: i32, %arg1: i32, %arg2: memref<100000x128xf32, #tpu.memory_space<hbm>>, %arg3: memref<4x2048xi32, #tpu.memory_space<hbm>>, %arg4: memref<8192x128xf32, #tpu.memory_space<hbm>>, %arg5: memref<256xi32, #tpu.memory_space<vmem>>, %arg6: memref<128x128xf32, #tpu.memory_space<vmem>>, %arg7: memref<128x128xf32, #tpu.memory_space<vmem>>, %arg8: memref<!tpu.dma_semaphore, #tpu.memory_space<semaphore_mem>>, %arg9: memref<!tpu.dma_semaphore, #tpu.memory_space<semaphore_mem>>, %arg10: memref<!tpu.dma_semaphore, #tpu.memory_space<semaphore_mem>>) attributes {dimension_semantics = [#tpu.dimension_semantics<core_parallel>, #tpu.dimension_semantics<subcore_parallel>], iteration_bounds = array<i64: 2, 16>, scalar_prefetch = 0 : i64, scratch_operands = 6 : i64, tpu.core_type = #tpu.core_type<sc_vector_subcore>, window_params = [{transform_indices = #map}, {transform_indices = #map}, {transform_indices = #map}]} {
    %mul3A = arith.constant 2 : i32
    %mul3A_0 = arith.muli %arg1, %mul3A : i32
    %add3A = arith.addi %mul3A_0, %arg0 : i32
    %jit3A = arith.constant 8 : i32
    %div3A = arith.divsi %add3A, %jit3A : i32
    %sign3A = arith.constant 0 : i32
    %sign3A_1 = arith.cmpi sgt, %add3A, %sign3A : i32
    %sign3A_2 = arith.extui %sign3A_1 : i1 to i32
    %sign3A_3 = arith.constant 0 : i32
    %sign3A_4 = arith.cmpi slt, %add3A, %sign3A_3 : i32
    %sign3A_5 = arith.extui %sign3A_4 : i1 to i32
    %sign3A_6 = arith.subi %sign3A_2, %sign3A_5 : i32
    %sign3A_7 = arith.constant 0 : i32
    %sign3A_8 = arith.cmpi sgt, %jit3A, %sign3A_7 : i32
    %sign3A_9 = arith.extui %sign3A_8 : i1 to i32
    %sign3A_10 = arith.constant 0 : i32
    %sign3A_11 = arith.cmpi slt, %jit3A, %sign3A_10 : i32
    %sign3A_12 = arith.extui %sign3A_11 : i1 to i32
    %sign3A_13 = arith.subi %sign3A_9, %sign3A_12 : i32
    %ne3A = arith.cmpi ne, %sign3A_6, %sign3A_13 : i32
    %rem3A = arith.remsi %add3A, %jit3A : i32
    %ne3A_14 = arith.constant 0 : i32
    %ne3A_15 = arith.cmpi ne, %rem3A, %ne3A_14 : i32
    %and3A = arith.andi %ne3A, %ne3A_15 : i1
    %sub3A = arith.constant 1 : i32
    %sub3A_16 = arith.subi %div3A, %sub3A : i32
    %select_n3A = arith.select %and3A, %sub3A_16, %div3A : i32
    %jit3A_17 = arith.constant 8 : i32
    %eq3A = arith.constant 0 : i32
    %eq3A_18 = arith.cmpi eq, %jit3A_17, %eq3A : i32
    %jit3A_19 = arith.constant 1 : i32
    %select_n3A_20 = arith.select %eq3A_18, %jit3A_19, %jit3A_17 : i32
    %rem3A_21 = arith.remsi %add3A, %select_n3A_20 : i32
    %ne3A_22 = arith.constant 0 : i32
    %ne3A_23 = arith.cmpi ne, %rem3A_21, %ne3A_22 : i32
    %lt3A = arith.constant 0 : i32
    %lt3A_24 = arith.cmpi slt, %rem3A_21, %lt3A : i32
    %lt3A_25 = arith.constant 0 : i32
    %lt3A_26 = arith.cmpi slt, %select_n3A_20, %lt3A_25 : i32
    %ne3A_27 = arith.xori %lt3A_24, %lt3A_26 : i1
    %and3A_28 = arith.andi %ne3A_27, %ne3A_23 : i1
    %add3A_29 = arith.addi %rem3A_21, %select_n3A_20 : i32
    %select_n3A_30 = arith.select %and3A_28, %add3A_29, %rem3A_21 : i32
    %mul3A_31 = arith.constant 256 : i32
    %mul3A_32 = arith.muli %select_n3A_30, %mul3A_31 : i32
    %mul3A_33 = arith.constant 256 : i32
    %mul3A_34 = arith.muli %add3A, %mul3A_33 : i32
    "tpu.region"() ({
      %run_scoped3A = tpu.sem_alloc : memref<!tpu.dma_semaphore, #tpu.memory_space<semaphore_mem>>
      %dma_start3A_63 = tpu.memref_slice %arg3[%select_n3A, %mul3A_32] : memref<4x2048xi32, #tpu.memory_space<hbm>> -> memref<1x256xi32, #tpu.memory_space<hbm>>
      %dma_start3A_64 = tpu.memref_squeeze %dma_start3A_63 : memref<1x256xi32, #tpu.memory_space<hbm>> -> memref<256xi32, #tpu.memory_space<hbm>>
      %dma_start3A_65 = tpu.memref_slice %arg3[%select_n3A, %mul3A_32] : memref<4x2048xi32, #tpu.memory_space<hbm>> -> memref<1x256xi32, #tpu.memory_space<hbm>>
      %dma_start3A_66 = tpu.memref_squeeze %dma_start3A_65 : memref<1x256xi32, #tpu.memory_space<hbm>> -> memref<256xi32, #tpu.memory_space<hbm>>
      tpu.enqueue_dma source(%dma_start3A_66 : memref<256xi32, #tpu.memory_space<hbm>>) target(%arg5 : memref<256xi32, #tpu.memory_space<vmem>>) target_semaphore(%run_scoped3A : memref<!tpu.dma_semaphore, #tpu.memory_space<semaphore_mem>>)
      %dma_wait3A_67 = tpu.memref_slice %arg3[%select_n3A, %mul3A_32] : memref<4x2048xi32, #tpu.memory_space<hbm>> -> memref<1x256xi32, #tpu.memory_space<hbm>>
      %dma_wait3A_68 = tpu.memref_squeeze %dma_wait3A_67 : memref<1x256xi32, #tpu.memory_space<hbm>> -> memref<256xi32, #tpu.memory_space<hbm>>
      %dma_wait3A_69 = tpu.memref_slice %arg3[%select_n3A, %mul3A_32] : memref<4x2048xi32, #tpu.memory_space<hbm>> -> memref<1x256xi32, #tpu.memory_space<hbm>>
      %dma_wait3A_70 = tpu.memref_squeeze %dma_wait3A_69 : memref<1x256xi32, #tpu.memory_space<hbm>> -> memref<256xi32, #tpu.memory_space<hbm>>
      tpu.wait_dma2 semaphore(%run_scoped3A : memref<!tpu.dma_semaphore, #tpu.memory_space<semaphore_mem>>) src(%dma_wait3A_70 : memref<256xi32, #tpu.memory_space<hbm>>) dst(%arg5 : memref<256xi32, #tpu.memory_space<vmem>>)
      tpu.yield
    }) : () -> ()
    %dma_start3A = arith.constant 0 : i32
    %dma_start3A_35 = tpu.memref_slice %arg5[%dma_start3A] : memref<256xi32, #tpu.memory_space<vmem>> -> memref<128xi32, #tpu.memory_space<vmem>>
    %dma_start3A_36 = arith.constant 0 : i32
    %dma_start3A_37 = arith.constant 0 : i32
    %dma_start3A_38 = tpu.memref_slice %arg2[%dma_start3A_36, %dma_start3A_37] : memref<100000x128xf32, #tpu.memory_space<hbm>> -> memref<100000x128xf32, #tpu.memory_space<hbm>>
    tpu.enqueue_indirect_dma source(%dma_start3A_38 : memref<100000x128xf32, #tpu.memory_space<hbm>>) target(%arg6 : memref<128x128xf32, #tpu.memory_space<vmem>>) offsets(%dma_start3A_35 : memref<128xi32, #tpu.memory_space<vmem>>) semaphore(%arg8 : memref<!tpu.dma_semaphore, #tpu.memory_space<semaphore_mem>>)
    %dma_start3A_39 = arith.constant 128 : i32
    %dma_start3A_40 = tpu.memref_slice %arg5[%dma_start3A_39] : memref<256xi32, #tpu.memory_space<vmem>> -> memref<128xi32, #tpu.memory_space<vmem>>
    %dma_start3A_41 = arith.constant 0 : i32
    %dma_start3A_42 = arith.constant 0 : i32
    %dma_start3A_43 = tpu.memref_slice %arg2[%dma_start3A_41, %dma_start3A_42] : memref<100000x128xf32, #tpu.memory_space<hbm>> -> memref<100000x128xf32, #tpu.memory_space<hbm>>
    tpu.enqueue_indirect_dma source(%dma_start3A_43 : memref<100000x128xf32, #tpu.memory_space<hbm>>) target(%arg7 : memref<128x128xf32, #tpu.memory_space<vmem>>) offsets(%dma_start3A_40 : memref<128xi32, #tpu.memory_space<vmem>>) semaphore(%arg9 : memref<!tpu.dma_semaphore, #tpu.memory_space<semaphore_mem>>)
    %dma_wait3A = arith.constant 0 : i32
    %dma_wait3A_44 = tpu.memref_slice %arg5[%dma_wait3A] : memref<256xi32, #tpu.memory_space<vmem>> -> memref<128xi32, #tpu.memory_space<vmem>>
    %dma_wait3A_45 = arith.constant 0 : i32
    %dma_wait3A_46 = arith.constant 0 : i32
    %dma_wait3A_47 = tpu.memref_slice %arg2[%dma_wait3A_45, %dma_wait3A_46] : memref<100000x128xf32, #tpu.memory_space<hbm>> -> memref<100000x128xf32, #tpu.memory_space<hbm>>
    tpu.wait_indirect_dma semaphore(%arg8 : memref<!tpu.dma_semaphore, #tpu.memory_space<semaphore_mem>>) src(%dma_wait3A_47 : memref<100000x128xf32, #tpu.memory_space<hbm>>) dst(%arg6 : memref<128x128xf32, #tpu.memory_space<vmem>>)
    %dma_start3A_48 = arith.constant 0 : i32
    %dma_start3A_49 = tpu.memref_slice %arg4[%mul3A_34, %dma_start3A_48] : memref<8192x128xf32, #tpu.memory_space<hbm>> -> memref<128x128xf32, #tpu.memory_space<hbm>>
    %dma_start3A_50 = arith.constant 0 : i32
    %dma_start3A_51 = tpu.memref_slice %arg4[%mul3A_34, %dma_start3A_50] : memref<8192x128xf32, #tpu.memory_space<hbm>> -> memref<128x128xf32, #tpu.memory_space<hbm>>
    tpu.enqueue_dma source(%arg6 : memref<128x128xf32, #tpu.memory_space<vmem>>) target(%dma_start3A_51 : memref<128x128xf32, #tpu.memory_space<hbm>>) target_semaphore(%arg10 : memref<!tpu.dma_semaphore, #tpu.memory_space<semaphore_mem>>)
    %dma_wait3A_52 = arith.constant 128 : i32
    %dma_wait3A_53 = tpu.memref_slice %arg5[%dma_wait3A_52] : memref<256xi32, #tpu.memory_space<vmem>> -> memref<128xi32, #tpu.memory_space<vmem>>
    %dma_wait3A_54 = arith.constant 0 : i32
    %dma_wait3A_55 = arith.constant 0 : i32
    %dma_wait3A_56 = tpu.memref_slice %arg2[%dma_wait3A_54, %dma_wait3A_55] : memref<100000x128xf32, #tpu.memory_space<hbm>> -> memref<100000x128xf32, #tpu.memory_space<hbm>>
    tpu.wait_indirect_dma semaphore(%arg9 : memref<!tpu.dma_semaphore, #tpu.memory_space<semaphore_mem>>) src(%dma_wait3A_56 : memref<100000x128xf32, #tpu.memory_space<hbm>>) dst(%arg7 : memref<128x128xf32, #tpu.memory_space<vmem>>)
    %add3A_57 = arith.constant 128 : i32
    %add3A_58 = arith.addi %mul3A_34, %add3A_57 : i32
    "tpu.region"() ({
      %run_scoped3A = tpu.sem_alloc : memref<!tpu.dma_semaphore, #tpu.memory_space<semaphore_mem>>
      %dma_start3A_63 = arith.constant 0 : i32
      %dma_start3A_64 = tpu.memref_slice %arg4[%add3A_58, %dma_start3A_63] : memref<8192x128xf32, #tpu.memory_space<hbm>> -> memref<128x128xf32, #tpu.memory_space<hbm>>
      %dma_start3A_65 = arith.constant 0 : i32
      %dma_start3A_66 = tpu.memref_slice %arg4[%add3A_58, %dma_start3A_65] : memref<8192x128xf32, #tpu.memory_space<hbm>> -> memref<128x128xf32, #tpu.memory_space<hbm>>
      tpu.enqueue_dma source(%arg7 : memref<128x128xf32, #tpu.memory_space<vmem>>) target(%dma_start3A_66 : memref<128x128xf32, #tpu.memory_space<hbm>>) target_semaphore(%run_scoped3A : memref<!tpu.dma_semaphore, #tpu.memory_space<semaphore_mem>>)
      %dma_wait3A_67 = arith.constant 0 : i32
      %dma_wait3A_68 = tpu.memref_slice %arg4[%add3A_58, %dma_wait3A_67] : memref<8192x128xf32, #tpu.memory_space<hbm>> -> memref<128x128xf32, #tpu.memory_space<hbm>>
      %dma_wait3A_69 = arith.constant 0 : i32
      %dma_wait3A_70 = tpu.memref_slice %arg4[%add3A_58, %dma_wait3A_69] : memref<8192x128xf32, #tpu.memory_space<hbm>> -> memref<128x128xf32, #tpu.memory_space<hbm>>
      tpu.wait_dma2 semaphore(%run_scoped3A : memref<!tpu.dma_semaphore, #tpu.memory_space<semaphore_mem>>) src(%arg7 : memref<128x128xf32, #tpu.memory_space<vmem>>) dst(%dma_wait3A_70 : memref<128x128xf32, #tpu.memory_space<hbm>>)
      tpu.yield
    }) : () -> ()
    %dma_wait3A_59 = arith.constant 0 : i32
    %dma_wait3A_60 = tpu.memref_slice %arg4[%mul3A_34, %dma_wait3A_59] : memref<8192x128xf32, #tpu.memory_space<hbm>> -> memref<128x128xf32, #tpu.memory_space<hbm>>
    %dma_wait3A_61 = arith.constant 0 : i32
    %dma_wait3A_62 = tpu.memref_slice %arg4[%mul3A_34, %dma_wait3A_61] : memref<8192x128xf32, #tpu.memory_space<hbm>> -> memref<128x128xf32, #tpu.memory_space<hbm>>
    tpu.wait_dma2 semaphore(%arg10 : memref<!tpu.dma_semaphore, #tpu.memory_space<semaphore_mem>>) src(%arg6 : memref<128x128xf32, #tpu.memory_space<vmem>>) dst(%dma_wait3A_62 : memref<128x128xf32, #tpu.memory_space<hbm>>)
    return
  }
}

module attributes {stable_mosaic.version = 14 : i64} {
  func.func @_ln_body(%arg0: i32, %arg1: memref<1x2048x128xf32, #tpu.memory_space<vmem>>, %arg2: memref<2048x128xf32, #tpu.memory_space<vmem>>, %arg3: memref<1x128xf32, #tpu.memory_space<vmem>>, %arg4: memref<1x128xf32, #tpu.memory_space<vmem>>, %arg5: memref<4x4x2048x128xf32, #tpu.memory_space<hbm>>, %arg6: memref<2048x128xf32, #tpu.memory_space<vmem>>, %arg7: memref<2048x128xf32, #tpu.memory_space<vmem>>, %arg8: memref<!tpu.dma_semaphore, #tpu.memory_space<semaphore_mem>>, %arg9: memref<!tpu.dma_semaphore, #tpu.memory_space<semaphore_mem>>) attributes {dimension_semantics = [#tpu.dimension_semantics<arbitrary>], iteration_bounds = array<i64: 4>, scalar_prefetch = 0 : i64, scratch_operands = 4 : i64, tpu.core_type = #tpu.core_type<tc>, window_params = [{transform_indices = @transform_0, window_bounds = array<i64: 1, 2048, 128>}, {pipeline_mode = #tpu.pipeline_mode<synchronous>, transform_indices = @transform_1, window_bounds = array<i64: 2048, 128>}, {pipeline_mode = #tpu.pipeline_mode<synchronous>, transform_indices = @transform_2, window_bounds = array<i64: 1, 128>}, {pipeline_mode = #tpu.pipeline_mode<synchronous>, transform_indices = @transform_3, window_bounds = array<i64: 1, 128>}, {}]} {
    %get3A = arith.constant 0 : index
    %get3A_0 = arith.constant 0 : index
    %get3A_1 = arith.constant 0 : index
    %get3A_2 = vector.load %arg1[%get3A, %get3A_0, %get3A_1] : memref<1x2048x128xf32, #tpu.memory_space<vmem>>, vector<1x2048x128xf32>
    %get3A_3 = vector.shape_cast %get3A_2 : vector<1x2048x128xf32> to vector<2048x128xf32>
    %get3A_4 = arith.constant 0 : index
    %get3A_5 = arith.constant 0 : index
    %get3A_6 = vector.load %arg2[%get3A_4, %get3A_5] : memref<2048x128xf32, #tpu.memory_space<vmem>>, vector<2048x128xf32>
    %add3A = arith.addf %get3A_3, %get3A_6 : vector<2048x128xf32>
    %reduce_sum3A = arith.constant dense<0.000000e+00> : vector<2048xf32>
    %reduce_sum3A_7 = vector.multi_reduction <add>, %add3A, %reduce_sum3A [1] : vector<2048x128xf32> to vector<2048xf32>
    %broadcast_in_dim3A = vector.shape_cast %reduce_sum3A_7 : vector<2048xf32> to vector<2048x1xf32>
    %div3A = arith.constant 1.280000e+02 : f32
    %div3A_8 = vector.broadcast %div3A : f32 to vector<2048x1xf32>
    %div3A_9 = arith.divf %broadcast_in_dim3A, %div3A_8 : vector<2048x1xf32>
    %sub3A = vector.broadcast %div3A_9 : vector<2048x1xf32> to vector<2048x128xf32>
    %sub3A_10 = arith.subf %add3A, %sub3A : vector<2048x128xf32>
    %mul3A = arith.mulf %sub3A_10, %sub3A_10 : vector<2048x128xf32>
    %reduce_sum3A_11 = arith.constant dense<0.000000e+00> : vector<2048xf32>
    %reduce_sum3A_12 = vector.multi_reduction <add>, %mul3A, %reduce_sum3A_11 [1] : vector<2048x128xf32> to vector<2048xf32>
    %broadcast_in_dim3A_13 = vector.shape_cast %reduce_sum3A_12 : vector<2048xf32> to vector<2048x1xf32>
    %div3A_14 = arith.constant 1.280000e+02 : f32
    %div3A_15 = vector.broadcast %div3A_14 : f32 to vector<2048x1xf32>
    %div3A_16 = arith.divf %broadcast_in_dim3A_13, %div3A_15 : vector<2048x1xf32>
    %add3A_17 = arith.constant 9.99999974E-6 : f32
    %add3A_18 = vector.broadcast %add3A_17 : f32 to vector<2048x1xf32>
    %add3A_19 = arith.addf %div3A_16, %add3A_18 : vector<2048x1xf32>
    %rsqrt3A = math.rsqrt %add3A_19 : vector<2048x1xf32>
    %mul3A_20 = vector.broadcast %rsqrt3A : vector<2048x1xf32> to vector<2048x128xf32>
    %mul3A_21 = arith.mulf %sub3A_10, %mul3A_20 : vector<2048x128xf32>
    %get3A_22 = arith.constant 0 : index
    %get3A_23 = arith.constant 0 : index
    %get3A_24 = vector.load %arg3[%get3A_22, %get3A_23] : memref<1x128xf32, #tpu.memory_space<vmem>>, vector<1x128xf32>
    %mul3A_25 = vector.broadcast %get3A_24 : vector<1x128xf32> to vector<2048x128xf32>
    %mul3A_26 = arith.mulf %mul3A_21, %mul3A_25 : vector<2048x128xf32>
    %get3A_27 = arith.constant 0 : index
    %get3A_28 = arith.constant 0 : index
    %get3A_29 = vector.load %arg4[%get3A_27, %get3A_28] : memref<1x128xf32, #tpu.memory_space<vmem>>, vector<1x128xf32>
    %add3A_30 = vector.broadcast %get3A_29 : vector<1x128xf32> to vector<2048x128xf32>
    %add3A_31 = arith.addf %mul3A_26, %add3A_30 : vector<2048x128xf32>
    %jit3A = arith.constant 2 : i32
    %eq3A = arith.constant 0 : i32
    %eq3A_32 = arith.cmpi eq, %jit3A, %eq3A : i32
    %jit3A_33 = arith.constant 1 : i32
    %select_n3A = arith.select %eq3A_32, %jit3A_33, %jit3A : i32
    %rem3A = arith.remsi %arg0, %select_n3A : i32
    %ne3A = arith.constant 0 : i32
    %ne3A_34 = arith.cmpi ne, %rem3A, %ne3A : i32
    %lt3A = arith.constant 0 : i32
    %lt3A_35 = arith.cmpi slt, %rem3A, %lt3A : i32
    %lt3A_36 = arith.constant 0 : i32
    %lt3A_37 = arith.cmpi slt, %select_n3A, %lt3A_36 : i32
    %ne3A_38 = arith.xori %lt3A_35, %lt3A_37 : i1
    %and3A = arith.andi %ne3A_38, %ne3A_34 : i1
    %add3A_39 = arith.addi %rem3A, %select_n3A : i32
    %select_n3A_40 = arith.select %and3A, %add3A_39, %rem3A : i32
    %eq3A_41 = arith.constant 0 : i32
    %eq3A_42 = arith.cmpi eq, %select_n3A_40, %eq3A_41 : i32
    %convert_element_type3A = arith.extui %eq3A_42 : i1 to i32
    %cond3A = arith.constant 0 : i32
    %cond3A_43 = arith.cmpi ne, %convert_element_type3A, %cond3A : i32
    scf.if %cond3A_43 {
      %ge3A = arith.constant 2 : i32
      %ge3A_70 = arith.cmpi sge, %arg0, %ge3A : i32
      %convert_element_type3A_71 = arith.extui %ge3A_70 : i1 to i32
      %cond3A_72 = arith.constant 0 : i32
      %cond3A_73 = arith.cmpi ne, %convert_element_type3A_71, %cond3A_72 : i32
      scf.if %cond3A_73 {
        %dma_wait3A = arith.constant 0 : i32
        %dma_wait3A_95 = arith.constant 0 : i32
        %dma_wait3A_96 = arith.constant 0 : i32
        %dma_wait3A_97 = tpu.memref_slice %arg5[%dma_wait3A, %arg0, %dma_wait3A_95, %dma_wait3A_96] : memref<4x4x2048x128xf32, #tpu.memory_space<hbm>> -> memref<1x1x2048x128xf32, #tpu.memory_space<hbm>>
        %dma_wait3A_98 = tpu.memref_squeeze %dma_wait3A_97 : memref<1x1x2048x128xf32, #tpu.memory_space<hbm>> -> memref<2048x128xf32, #tpu.memory_space<hbm>>
        tpu.wait_dma2 semaphore(%arg8 : memref<!tpu.dma_semaphore, #tpu.memory_space<semaphore_mem>>) src(%arg6 : memref<2048x128xf32, #tpu.memory_space<vmem>>) dst(%dma_wait3A_98 : memref<2048x128xf32, #tpu.memory_space<hbm>>)
        %dma_wait3A_99 = arith.constant 1 : i32
        %dma_wait3A_100 = arith.constant 0 : i32
        %dma_wait3A_101 = arith.constant 0 : i32
        %dma_wait3A_102 = tpu.memref_slice %arg5[%dma_wait3A_99, %arg0, %dma_wait3A_100, %dma_wait3A_101] : memref<4x4x2048x128xf32, #tpu.memory_space<hbm>> -> memref<1x1x2048x128xf32, #tpu.memory_space<hbm>>
        %dma_wait3A_103 = tpu.memref_squeeze %dma_wait3A_102 : memref<1x1x2048x128xf32, #tpu.memory_space<hbm>> -> memref<2048x128xf32, #tpu.memory_space<hbm>>
        tpu.wait_dma2 semaphore(%arg8 : memref<!tpu.dma_semaphore, #tpu.memory_space<semaphore_mem>>) src(%arg6 : memref<2048x128xf32, #tpu.memory_space<vmem>>) dst(%dma_wait3A_103 : memref<2048x128xf32, #tpu.memory_space<hbm>>)
        %dma_wait3A_104 = arith.constant 2 : i32
        %dma_wait3A_105 = arith.constant 0 : i32
        %dma_wait3A_106 = arith.constant 0 : i32
        %dma_wait3A_107 = tpu.memref_slice %arg5[%dma_wait3A_104, %arg0, %dma_wait3A_105, %dma_wait3A_106] : memref<4x4x2048x128xf32, #tpu.memory_space<hbm>> -> memref<1x1x2048x128xf32, #tpu.memory_space<hbm>>
        %dma_wait3A_108 = tpu.memref_squeeze %dma_wait3A_107 : memref<1x1x2048x128xf32, #tpu.memory_space<hbm>> -> memref<2048x128xf32, #tpu.memory_space<hbm>>
        tpu.wait_dma2 semaphore(%arg8 : memref<!tpu.dma_semaphore, #tpu.memory_space<semaphore_mem>>) src(%arg6 : memref<2048x128xf32, #tpu.memory_space<vmem>>) dst(%dma_wait3A_108 : memref<2048x128xf32, #tpu.memory_space<hbm>>)
        %dma_wait3A_109 = arith.constant 3 : i32
        %dma_wait3A_110 = arith.constant 0 : i32
        %dma_wait3A_111 = arith.constant 0 : i32
        %dma_wait3A_112 = tpu.memref_slice %arg5[%dma_wait3A_109, %arg0, %dma_wait3A_110, %dma_wait3A_111] : memref<4x4x2048x128xf32, #tpu.memory_space<hbm>> -> memref<1x1x2048x128xf32, #tpu.memory_space<hbm>>
        %dma_wait3A_113 = tpu.memref_squeeze %dma_wait3A_112 : memref<1x1x2048x128xf32, #tpu.memory_space<hbm>> -> memref<2048x128xf32, #tpu.memory_space<hbm>>
        tpu.wait_dma2 semaphore(%arg8 : memref<!tpu.dma_semaphore, #tpu.memory_space<semaphore_mem>>) src(%arg6 : memref<2048x128xf32, #tpu.memory_space<vmem>>) dst(%dma_wait3A_113 : memref<2048x128xf32, #tpu.memory_space<hbm>>)
      } else {
      }
      %swap3A = arith.constant 0 : index
      %swap3A_74 = arith.constant 0 : index
      %swap3A_75 = vector.load %arg6[%swap3A, %swap3A_74] : memref<2048x128xf32, #tpu.memory_space<vmem>>, vector<2048x128xf32>
      tpu.vector_store %arg6[%swap3A, %swap3A_74], %add3A_31 {strides = array<i32>} : memref<2048x128xf32, #tpu.memory_space<vmem>>, vector<2048x128xf32>,
      %dma_start3A = arith.constant 0 : i32
      %dma_start3A_76 = arith.constant 0 : i32
      %dma_start3A_77 = arith.constant 0 : i32
      %dma_start3A_78 = tpu.memref_slice %arg5[%dma_start3A, %arg0, %dma_start3A_76, %dma_start3A_77] : memref<4x4x2048x128xf32, #tpu.memory_space<hbm>> -> memref<1x1x2048x128xf32, #tpu.memory_space<hbm>>
      %dma_start3A_79 = tpu.memref_squeeze %dma_start3A_78 : memref<1x1x2048x128xf32, #tpu.memory_space<hbm>> -> memref<2048x128xf32, #tpu.memory_space<hbm>>
      tpu.enqueue_dma source(%arg6 : memref<2048x128xf32, #tpu.memory_space<vmem>>) target(%dma_start3A_79 : memref<2048x128xf32, #tpu.memory_space<hbm>>) target_semaphore(%arg8 : memref<!tpu.dma_semaphore, #tpu.memory_space<semaphore_mem>>)
      %dma_start3A_80 = arith.constant 1 : i32
      %dma_start3A_81 = arith.constant 0 : i32
      %dma_start3A_82 = arith.constant 0 : i32
      %dma_start3A_83 = tpu.memref_slice %arg5[%dma_start3A_80, %arg0, %dma_start3A_81, %dma_start3A_82] : memref<4x4x2048x128xf32, #tpu.memory_space<hbm>> -> memref<1x1x2048x128xf32, #tpu.memory_space<hbm>>
      %dma_start3A_84 = tpu.memref_squeeze %dma_start3A_83 : memref<1x1x2048x128xf32, #tpu.memory_space<hbm>> -> memref<2048x128xf32, #tpu.memory_space<hbm>>
      tpu.enqueue_dma source(%arg6 : memref<2048x128xf32, #tpu.memory_space<vmem>>) target(%dma_start3A_84 : memref<2048x128xf32, #tpu.memory_space<hbm>>) target_semaphore(%arg8 : memref<!tpu.dma_semaphore, #tpu.memory_space<semaphore_mem>>)
      %dma_start3A_85 = arith.constant 2 : i32
      %dma_start3A_86 = arith.constant 0 : i32
      %dma_start3A_87 = arith.constant 0 : i32
      %dma_start3A_88 = tpu.memref_slice %arg5[%dma_start3A_85, %arg0, %dma_start3A_86, %dma_start3A_87] : memref<4x4x2048x128xf32, #tpu.memory_space<hbm>> -> memref<1x1x2048x128xf32, #tpu.memory_space<hbm>>
      %dma_start3A_89 = tpu.memref_squeeze %dma_start3A_88 : memref<1x1x2048x128xf32, #tpu.memory_space<hbm>> -> memref<2048x128xf32, #tpu.memory_space<hbm>>
      tpu.enqueue_dma source(%arg6 : memref<2048x128xf32, #tpu.memory_space<vmem>>) target(%dma_start3A_89 : memref<2048x128xf32, #tpu.memory_space<hbm>>) target_semaphore(%arg8 : memref<!tpu.dma_semaphore, #tpu.memory_space<semaphore_mem>>)
      %dma_start3A_90 = arith.constant 3 : i32
      %dma_start3A_91 = arith.constant 0 : i32
      %dma_start3A_92 = arith.constant 0 : i32
      %dma_start3A_93 = tpu.memref_slice %arg5[%dma_start3A_90, %arg0, %dma_start3A_91, %dma_start3A_92] : memref<4x4x2048x128xf32, #tpu.memory_space<hbm>> -> memref<1x1x2048x128xf32, #tpu.memory_space<hbm>>
      %dma_start3A_94 = tpu.memref_squeeze %dma_start3A_93 : memref<1x1x2048x128xf32, #tpu.memory_space<hbm>> -> memref<2048x128xf32, #tpu.memory_space<hbm>>
      tpu.enqueue_dma source(%arg6 : memref<2048x128xf32, #tpu.memory_space<vmem>>) target(%dma_start3A_94 : memref<2048x128xf32, #tpu.memory_space<hbm>>) target_semaphore(%arg8 : memref<!tpu.dma_semaphore, #tpu.memory_space<semaphore_mem>>)
    } else {
    }
    %jit3A_44 = arith.constant 2 : i32
    %eq3A_45 = arith.constant 0 : i32
    %eq3A_46 = arith.cmpi eq, %jit3A_44, %eq3A_45 : i32
    %jit3A_47 = arith.constant 1 : i32
    %select_n3A_48 = arith.select %eq3A_46, %jit3A_47, %jit3A_44 : i32
    %rem3A_49 = arith.remsi %arg0, %select_n3A_48 : i32
    %ne3A_50 = arith.constant 0 : i32
    %ne3A_51 = arith.cmpi ne, %rem3A_49, %ne3A_50 : i32
    %lt3A_52 = arith.constant 0 : i32
    %lt3A_53 = arith.cmpi slt, %rem3A_49, %lt3A_52 : i32
    %lt3A_54 = arith.constant 0 : i32
    %lt3A_55 = arith.cmpi slt, %select_n3A_48, %lt3A_54 : i32
    %ne3A_56 = arith.xori %lt3A_53, %lt3A_55 : i1
    %and3A_57 = arith.andi %ne3A_56, %ne3A_51 : i1
    %add3A_58 = arith.addi %rem3A_49, %select_n3A_48 : i32
    %select_n3A_59 = arith.select %and3A_57, %add3A_58, %rem3A_49 : i32
    %eq3A_60 = arith.constant 1 : i32
    %eq3A_61 = arith.cmpi eq, %select_n3A_59, %eq3A_60 : i32
    %convert_element_type3A_62 = arith.extui %eq3A_61 : i1 to i32
    %cond3A_63 = arith.constant 0 : i32
    %cond3A_64 = arith.cmpi ne, %convert_element_type3A_62, %cond3A_63 : i32
    scf.if %cond3A_64 {
      %ge3A = arith.constant 2 : i32
      %ge3A_70 = arith.cmpi sge, %arg0, %ge3A : i32
      %convert_element_type3A_71 = arith.extui %ge3A_70 : i1 to i32
      %cond3A_72 = arith.constant 0 : i32
      %cond3A_73 = arith.cmpi ne, %convert_element_type3A_71, %cond3A_72 : i32
      scf.if %cond3A_73 {
        %dma_wait3A = arith.constant 0 : i32
        %dma_wait3A_95 = arith.constant 0 : i32
        %dma_wait3A_96 = arith.constant 0 : i32
        %dma_wait3A_97 = tpu.memref_slice %arg5[%dma_wait3A, %arg0, %dma_wait3A_95, %dma_wait3A_96] : memref<4x4x2048x128xf32, #tpu.memory_space<hbm>> -> memref<1x1x2048x128xf32, #tpu.memory_space<hbm>>
        %dma_wait3A_98 = tpu.memref_squeeze %dma_wait3A_97 : memref<1x1x2048x128xf32, #tpu.memory_space<hbm>> -> memref<2048x128xf32, #tpu.memory_space<hbm>>
        tpu.wait_dma2 semaphore(%arg9 : memref<!tpu.dma_semaphore, #tpu.memory_space<semaphore_mem>>) src(%arg7 : memref<2048x128xf32, #tpu.memory_space<vmem>>) dst(%dma_wait3A_98 : memref<2048x128xf32, #tpu.memory_space<hbm>>)
        %dma_wait3A_99 = arith.constant 1 : i32
        %dma_wait3A_100 = arith.constant 0 : i32
        %dma_wait3A_101 = arith.constant 0 : i32
        %dma_wait3A_102 = tpu.memref_slice %arg5[%dma_wait3A_99, %arg0, %dma_wait3A_100, %dma_wait3A_101] : memref<4x4x2048x128xf32, #tpu.memory_space<hbm>> -> memref<1x1x2048x128xf32, #tpu.memory_space<hbm>>
        %dma_wait3A_103 = tpu.memref_squeeze %dma_wait3A_102 : memref<1x1x2048x128xf32, #tpu.memory_space<hbm>> -> memref<2048x128xf32, #tpu.memory_space<hbm>>
        tpu.wait_dma2 semaphore(%arg9 : memref<!tpu.dma_semaphore, #tpu.memory_space<semaphore_mem>>) src(%arg7 : memref<2048x128xf32, #tpu.memory_space<vmem>>) dst(%dma_wait3A_103 : memref<2048x128xf32, #tpu.memory_space<hbm>>)
        %dma_wait3A_104 = arith.constant 2 : i32
        %dma_wait3A_105 = arith.constant 0 : i32
        %dma_wait3A_106 = arith.constant 0 : i32
        %dma_wait3A_107 = tpu.memref_slice %arg5[%dma_wait3A_104, %arg0, %dma_wait3A_105, %dma_wait3A_106] : memref<4x4x2048x128xf32, #tpu.memory_space<hbm>> -> memref<1x1x2048x128xf32, #tpu.memory_space<hbm>>
        %dma_wait3A_108 = tpu.memref_squeeze %dma_wait3A_107 : memref<1x1x2048x128xf32, #tpu.memory_space<hbm>> -> memref<2048x128xf32, #tpu.memory_space<hbm>>
        tpu.wait_dma2 semaphore(%arg9 : memref<!tpu.dma_semaphore, #tpu.memory_space<semaphore_mem>>) src(%arg7 : memref<2048x128xf32, #tpu.memory_space<vmem>>) dst(%dma_wait3A_108 : memref<2048x128xf32, #tpu.memory_space<hbm>>)
        %dma_wait3A_109 = arith.constant 3 : i32
        %dma_wait3A_110 = arith.constant 0 : i32
        %dma_wait3A_111 = arith.constant 0 : i32
        %dma_wait3A_112 = tpu.memref_slice %arg5[%dma_wait3A_109, %arg0, %dma_wait3A_110, %dma_wait3A_111] : memref<4x4x2048x128xf32, #tpu.memory_space<hbm>> -> memref<1x1x2048x128xf32, #tpu.memory_space<hbm>>
        %dma_wait3A_113 = tpu.memref_squeeze %dma_wait3A_112 : memref<1x1x2048x128xf32, #tpu.memory_space<hbm>> -> memref<2048x128xf32, #tpu.memory_space<hbm>>
        tpu.wait_dma2 semaphore(%arg9 : memref<!tpu.dma_semaphore, #tpu.memory_space<semaphore_mem>>) src(%arg7 : memref<2048x128xf32, #tpu.memory_space<vmem>>) dst(%dma_wait3A_113 : memref<2048x128xf32, #tpu.memory_space<hbm>>)
      } else {
      }
      %swap3A = arith.constant 0 : index
      %swap3A_74 = arith.constant 0 : index
      %swap3A_75 = vector.load %arg7[%swap3A, %swap3A_74] : memref<2048x128xf32, #tpu.memory_space<vmem>>, vector<2048x128xf32>
      tpu.vector_store %arg7[%swap3A, %swap3A_74], %add3A_31 {strides = array<i32>} : memref<2048x128xf32, #tpu.memory_space<vmem>>, vector<2048x128xf32>,
      %dma_start3A = arith.constant 0 : i32
      %dma_start3A_76 = arith.constant 0 : i32
      %dma_start3A_77 = arith.constant 0 : i32
      %dma_start3A_78 = tpu.memref_slice %arg5[%dma_start3A, %arg0, %dma_start3A_76, %dma_start3A_77] : memref<4x4x2048x128xf32, #tpu.memory_space<hbm>> -> memref<1x1x2048x128xf32, #tpu.memory_space<hbm>>
      %dma_start3A_79 = tpu.memref_squeeze %dma_start3A_78 : memref<1x1x2048x128xf32, #tpu.memory_space<hbm>> -> memref<2048x128xf32, #tpu.memory_space<hbm>>
      tpu.enqueue_dma source(%arg7 : memref<2048x128xf32, #tpu.memory_space<vmem>>) target(%dma_start3A_79 : memref<2048x128xf32, #tpu.memory_space<hbm>>) target_semaphore(%arg9 : memref<!tpu.dma_semaphore, #tpu.memory_space<semaphore_mem>>)
      %dma_start3A_80 = arith.constant 1 : i32
      %dma_start3A_81 = arith.constant 0 : i32
      %dma_start3A_82 = arith.constant 0 : i32
      %dma_start3A_83 = tpu.memref_slice %arg5[%dma_start3A_80, %arg0, %dma_start3A_81, %dma_start3A_82] : memref<4x4x2048x128xf32, #tpu.memory_space<hbm>> -> memref<1x1x2048x128xf32, #tpu.memory_space<hbm>>
      %dma_start3A_84 = tpu.memref_squeeze %dma_start3A_83 : memref<1x1x2048x128xf32, #tpu.memory_space<hbm>> -> memref<2048x128xf32, #tpu.memory_space<hbm>>
      tpu.enqueue_dma source(%arg7 : memref<2048x128xf32, #tpu.memory_space<vmem>>) target(%dma_start3A_84 : memref<2048x128xf32, #tpu.memory_space<hbm>>) target_semaphore(%arg9 : memref<!tpu.dma_semaphore, #tpu.memory_space<semaphore_mem>>)
      %dma_start3A_85 = arith.constant 2 : i32
      %dma_start3A_86 = arith.constant 0 : i32
      %dma_start3A_87 = arith.constant 0 : i32
      %dma_start3A_88 = tpu.memref_slice %arg5[%dma_start3A_85, %arg0, %dma_start3A_86, %dma_start3A_87] : memref<4x4x2048x128xf32, #tpu.memory_space<hbm>> -> memref<1x1x2048x128xf32, #tpu.memory_space<hbm>>
      %dma_start3A_89 = tpu.memref_squeeze %dma_start3A_88 : memref<1x1x2048x128xf32, #tpu.memory_space<hbm>> -> memref<2048x128xf32, #tpu.memory_space<hbm>>
      tpu.enqueue_dma source(%arg7 : memref<2048x128xf32, #tpu.memory_space<vmem>>) target(%dma_start3A_89 : memref<2048x128xf32, #tpu.memory_space<hbm>>) target_semaphore(%arg9 : memref<!tpu.dma_semaphore, #tpu.memory_space<semaphore_mem>>)
      %dma_start3A_90 = arith.constant 3 : i32
      %dma_start3A_91 = arith.constant 0 : i32
      %dma_start3A_92 = arith.constant 0 : i32
      %dma_start3A_93 = tpu.memref_slice %arg5[%dma_start3A_90, %arg0, %dma_start3A_91, %dma_start3A_92] : memref<4x4x2048x128xf32, #tpu.memory_space<hbm>> -> memref<1x1x2048x128xf32, #tpu.memory_space<hbm>>
      %dma_start3A_94 = tpu.memref_squeeze %dma_start3A_93 : memref<1x1x2048x128xf32, #tpu.memory_space<hbm>> -> memref<2048x128xf32, #tpu.memory_space<hbm>>
      tpu.enqueue_dma source(%arg7 : memref<2048x128xf32, #tpu.memory_space<vmem>>) target(%dma_start3A_94 : memref<2048x128xf32, #tpu.memory_space<hbm>>) target_semaphore(%arg9 : memref<!tpu.dma_semaphore, #tpu.memory_space<semaphore_mem>>)
    } else {
    }
    %eq3A_65 = arith.constant 3 : i32
    %eq3A_66 = arith.cmpi eq, %arg0, %eq3A_65 : i32
    %convert_element_type3A_67 = arith.extui %eq3A_66 : i1 to i32
    %cond3A_68 = arith.constant 0 : i32
    %cond3A_69 = arith.cmpi ne, %convert_element_type3A_67, %cond3A_68 : i32
    scf.if %cond3A_69 {
      %jit3A_70 = arith.constant 2 : i32
      %eq3A_71 = arith.constant 0 : i32
      %eq3A_72 = arith.cmpi eq, %jit3A_70, %eq3A_71 : i32
      %jit3A_73 = arith.constant 1 : i32
      %select_n3A_74 = arith.select %eq3A_72, %jit3A_73, %jit3A_70 : i32
      %rem3A_75 = arith.remsi %arg0, %select_n3A_74 : i32
      %ne3A_76 = arith.constant 0 : i32
      %ne3A_77 = arith.cmpi ne, %rem3A_75, %ne3A_76 : i32
      %lt3A_78 = arith.constant 0 : i32
      %lt3A_79 = arith.cmpi slt, %rem3A_75, %lt3A_78 : i32
      %lt3A_80 = arith.constant 0 : i32
      %lt3A_81 = arith.cmpi slt, %select_n3A_74, %lt3A_80 : i32
      %ne3A_82 = arith.xori %lt3A_79, %lt3A_81 : i1
      %and3A_83 = arith.andi %ne3A_82, %ne3A_77 : i1
      %add3A_84 = arith.addi %rem3A_75, %select_n3A_74 : i32
      %select_n3A_85 = arith.select %and3A_83, %add3A_84, %rem3A_75 : i32
      %eq3A_86 = arith.constant 0 : i32
      %eq3A_87 = arith.cmpi eq, %select_n3A_85, %eq3A_86 : i32
      %convert_element_type3A_88 = arith.extui %eq3A_87 : i1 to i32
      %cond3A_89 = arith.constant 0 : i32
      %cond3A_90 = arith.cmpi ne, %convert_element_type3A_88, %cond3A_89 : i32
      scf.if %cond3A_90 {
        %dma_wait3A = arith.constant 0 : i32
        %dma_wait3A_112 = arith.constant 0 : i32
        %dma_wait3A_113 = arith.constant 0 : i32
        %dma_wait3A_114 = tpu.memref_slice %arg5[%dma_wait3A, %arg0, %dma_wait3A_112, %dma_wait3A_113] : memref<4x4x2048x128xf32, #tpu.memory_space<hbm>> -> memref<1x1x2048x128xf32, #tpu.memory_space<hbm>>
        %dma_wait3A_115 = tpu.memref_squeeze %dma_wait3A_114 : memref<1x1x2048x128xf32, #tpu.memory_space<hbm>> -> memref<2048x128xf32, #tpu.memory_space<hbm>>
        tpu.wait_dma2 semaphore(%arg8 : memref<!tpu.dma_semaphore, #tpu.memory_space<semaphore_mem>>) src(%arg6 : memref<2048x128xf32, #tpu.memory_space<vmem>>) dst(%dma_wait3A_115 : memref<2048x128xf32, #tpu.memory_space<hbm>>)
        %dma_wait3A_116 = arith.constant 1 : i32
        %dma_wait3A_117 = arith.constant 0 : i32
        %dma_wait3A_118 = arith.constant 0 : i32
        %dma_wait3A_119 = tpu.memref_slice %arg5[%dma_wait3A_116, %arg0, %dma_wait3A_117, %dma_wait3A_118] : memref<4x4x2048x128xf32, #tpu.memory_space<hbm>> -> memref<1x1x2048x128xf32, #tpu.memory_space<hbm>>
        %dma_wait3A_120 = tpu.memref_squeeze %dma_wait3A_119 : memref<1x1x2048x128xf32, #tpu.memory_space<hbm>> -> memref<2048x128xf32, #tpu.memory_space<hbm>>
        tpu.wait_dma2 semaphore(%arg8 : memref<!tpu.dma_semaphore, #tpu.memory_space<semaphore_mem>>) src(%arg6 : memref<2048x128xf32, #tpu.memory_space<vmem>>) dst(%dma_wait3A_120 : memref<2048x128xf32, #tpu.memory_space<hbm>>)
        %dma_wait3A_121 = arith.constant 2 : i32
        %dma_wait3A_122 = arith.constant 0 : i32
        %dma_wait3A_123 = arith.constant 0 : i32
        %dma_wait3A_124 = tpu.memref_slice %arg5[%dma_wait3A_121, %arg0, %dma_wait3A_122, %dma_wait3A_123] : memref<4x4x2048x128xf32, #tpu.memory_space<hbm>> -> memref<1x1x2048x128xf32, #tpu.memory_space<hbm>>
        %dma_wait3A_125 = tpu.memref_squeeze %dma_wait3A_124 : memref<1x1x2048x128xf32, #tpu.memory_space<hbm>> -> memref<2048x128xf32, #tpu.memory_space<hbm>>
        tpu.wait_dma2 semaphore(%arg8 : memref<!tpu.dma_semaphore, #tpu.memory_space<semaphore_mem>>) src(%arg6 : memref<2048x128xf32, #tpu.memory_space<vmem>>) dst(%dma_wait3A_125 : memref<2048x128xf32, #tpu.memory_space<hbm>>)
        %dma_wait3A_126 = arith.constant 3 : i32
        %dma_wait3A_127 = arith.constant 0 : i32
        %dma_wait3A_128 = arith.constant 0 : i32
        %dma_wait3A_129 = tpu.memref_slice %arg5[%dma_wait3A_126, %arg0, %dma_wait3A_127, %dma_wait3A_128] : memref<4x4x2048x128xf32, #tpu.memory_space<hbm>> -> memref<1x1x2048x128xf32, #tpu.memory_space<hbm>>
        %dma_wait3A_130 = tpu.memref_squeeze %dma_wait3A_129 : memref<1x1x2048x128xf32, #tpu.memory_space<hbm>> -> memref<2048x128xf32, #tpu.memory_space<hbm>>
        tpu.wait_dma2 semaphore(%arg8 : memref<!tpu.dma_semaphore, #tpu.memory_space<semaphore_mem>>) src(%arg6 : memref<2048x128xf32, #tpu.memory_space<vmem>>) dst(%dma_wait3A_130 : memref<2048x128xf32, #tpu.memory_space<hbm>>)
        %dma_wait3A_131 = arith.constant 0 : i32
        %dma_wait3A_132 = arith.constant 0 : i32
        %dma_wait3A_133 = arith.constant 0 : i32
        %dma_wait3A_134 = tpu.memref_slice %arg5[%dma_wait3A_131, %arg0, %dma_wait3A_132, %dma_wait3A_133] : memref<4x4x2048x128xf32, #tpu.memory_space<hbm>> -> memref<1x1x2048x128xf32, #tpu.memory_space<hbm>>
        %dma_wait3A_135 = tpu.memref_squeeze %dma_wait3A_134 : memref<1x1x2048x128xf32, #tpu.memory_space<hbm>> -> memref<2048x128xf32, #tpu.memory_space<hbm>>
        tpu.wait_dma2 semaphore(%arg9 : memref<!tpu.dma_semaphore, #tpu.memory_space<semaphore_mem>>) src(%arg7 : memref<2048x128xf32, #tpu.memory_space<vmem>>) dst(%dma_wait3A_135 : memref<2048x128xf32, #tpu.memory_space<hbm>>)
        %dma_wait3A_136 = arith.constant 1 : i32
        %dma_wait3A_137 = arith.constant 0 : i32
        %dma_wait3A_138 = arith.constant 0 : i32
        %dma_wait3A_139 = tpu.memref_slice %arg5[%dma_wait3A_136, %arg0, %dma_wait3A_137, %dma_wait3A_138] : memref<4x4x2048x128xf32, #tpu.memory_space<hbm>> -> memref<1x1x2048x128xf32, #tpu.memory_space<hbm>>
        %dma_wait3A_140 = tpu.memref_squeeze %dma_wait3A_139 : memref<1x1x2048x128xf32, #tpu.memory_space<hbm>> -> memref<2048x128xf32, #tpu.memory_space<hbm>>
        tpu.wait_dma2 semaphore(%arg9 : memref<!tpu.dma_semaphore, #tpu.memory_space<semaphore_mem>>) src(%arg7 : memref<2048x128xf32, #tpu.memory_space<vmem>>) dst(%dma_wait3A_140 : memref<2048x128xf32, #tpu.memory_space<hbm>>)
        %dma_wait3A_141 = arith.constant 2 : i32
        %dma_wait3A_142 = arith.constant 0 : i32
        %dma_wait3A_143 = arith.constant 0 : i32
        %dma_wait3A_144 = tpu.memref_slice %arg5[%dma_wait3A_141, %arg0, %dma_wait3A_142, %dma_wait3A_143] : memref<4x4x2048x128xf32, #tpu.memory_space<hbm>> -> memref<1x1x2048x128xf32, #tpu.memory_space<hbm>>
        %dma_wait3A_145 = tpu.memref_squeeze %dma_wait3A_144 : memref<1x1x2048x128xf32, #tpu.memory_space<hbm>> -> memref<2048x128xf32, #tpu.memory_space<hbm>>
        tpu.wait_dma2 semaphore(%arg9 : memref<!tpu.dma_semaphore, #tpu.memory_space<semaphore_mem>>) src(%arg7 : memref<2048x128xf32, #tpu.memory_space<vmem>>) dst(%dma_wait3A_145 : memref<2048x128xf32, #tpu.memory_space<hbm>>)
        %dma_wait3A_146 = arith.constant 3 : i32
        %dma_wait3A_147 = arith.constant 0 : i32
        %dma_wait3A_148 = arith.constant 0 : i32
        %dma_wait3A_149 = tpu.memref_slice %arg5[%dma_wait3A_146, %arg0, %dma_wait3A_147, %dma_wait3A_148] : memref<4x4x2048x128xf32, #tpu.memory_space<hbm>> -> memref<1x1x2048x128xf32, #tpu.memory_space<hbm>>
        %dma_wait3A_150 = tpu.memref_squeeze %dma_wait3A_149 : memref<1x1x2048x128xf32, #tpu.memory_space<hbm>> -> memref<2048x128xf32, #tpu.memory_space<hbm>>
        tpu.wait_dma2 semaphore(%arg9 : memref<!tpu.dma_semaphore, #tpu.memory_space<semaphore_mem>>) src(%arg7 : memref<2048x128xf32, #tpu.memory_space<vmem>>) dst(%dma_wait3A_150 : memref<2048x128xf32, #tpu.memory_space<hbm>>)
      } else {
      }
      %jit3A_91 = arith.constant 2 : i32
      %eq3A_92 = arith.constant 0 : i32
      %eq3A_93 = arith.cmpi eq, %jit3A_91, %eq3A_92 : i32
      %jit3A_94 = arith.constant 1 : i32
      %select_n3A_95 = arith.select %eq3A_93, %jit3A_94, %jit3A_91 : i32
      %rem3A_96 = arith.remsi %arg0, %select_n3A_95 : i32
      %ne3A_97 = arith.constant 0 : i32
      %ne3A_98 = arith.cmpi ne, %rem3A_96, %ne3A_97 : i32
      %lt3A_99 = arith.constant 0 : i32
      %lt3A_100 = arith.cmpi slt, %rem3A_96, %lt3A_99 : i32
      %lt3A_101 = arith.constant 0 : i32
      %lt3A_102 = arith.cmpi slt, %select_n3A_95, %lt3A_101 : i32
      %ne3A_103 = arith.xori %lt3A_100, %lt3A_102 : i1
      %and3A_104 = arith.andi %ne3A_103, %ne3A_98 : i1
      %add3A_105 = arith.addi %rem3A_96, %select_n3A_95 : i32
      %select_n3A_106 = arith.select %and3A_104, %add3A_105, %rem3A_96 : i32
      %eq3A_107 = arith.constant 1 : i32
      %eq3A_108 = arith.cmpi eq, %select_n3A_106, %eq3A_107 : i32
      %convert_element_type3A_109 = arith.extui %eq3A_108 : i1 to i32
      %cond3A_110 = arith.constant 0 : i32
      %cond3A_111 = arith.cmpi ne, %convert_element_type3A_109, %cond3A_110 : i32
      scf.if %cond3A_111 {
        %dma_wait3A = arith.constant 0 : i32
        %dma_wait3A_112 = arith.constant 0 : i32
        %dma_wait3A_113 = arith.constant 0 : i32
        %dma_wait3A_114 = tpu.memref_slice %arg5[%dma_wait3A, %arg0, %dma_wait3A_112, %dma_wait3A_113] : memref<4x4x2048x128xf32, #tpu.memory_space<hbm>> -> memref<1x1x2048x128xf32, #tpu.memory_space<hbm>>
        %dma_wait3A_115 = tpu.memref_squeeze %dma_wait3A_114 : memref<1x1x2048x128xf32, #tpu.memory_space<hbm>> -> memref<2048x128xf32, #tpu.memory_space<hbm>>
        tpu.wait_dma2 semaphore(%arg9 : memref<!tpu.dma_semaphore, #tpu.memory_space<semaphore_mem>>) src(%arg7 : memref<2048x128xf32, #tpu.memory_space<vmem>>) dst(%dma_wait3A_115 : memref<2048x128xf32, #tpu.memory_space<hbm>>)
        %dma_wait3A_116 = arith.constant 1 : i32
        %dma_wait3A_117 = arith.constant 0 : i32
        %dma_wait3A_118 = arith.constant 0 : i32
        %dma_wait3A_119 = tpu.memref_slice %arg5[%dma_wait3A_116, %arg0, %dma_wait3A_117, %dma_wait3A_118] : memref<4x4x2048x128xf32, #tpu.memory_space<hbm>> -> memref<1x1x2048x128xf32, #tpu.memory_space<hbm>>
        %dma_wait3A_120 = tpu.memref_squeeze %dma_wait3A_119 : memref<1x1x2048x128xf32, #tpu.memory_space<hbm>> -> memref<2048x128xf32, #tpu.memory_space<hbm>>
        tpu.wait_dma2 semaphore(%arg9 : memref<!tpu.dma_semaphore, #tpu.memory_space<semaphore_mem>>) src(%arg7 : memref<2048x128xf32, #tpu.memory_space<vmem>>) dst(%dma_wait3A_120 : memref<2048x128xf32, #tpu.memory_space<hbm>>)
        %dma_wait3A_121 = arith.constant 2 : i32
        %dma_wait3A_122 = arith.constant 0 : i32
        %dma_wait3A_123 = arith.constant 0 : i32
        %dma_wait3A_124 = tpu.memref_slice %arg5[%dma_wait3A_121, %arg0, %dma_wait3A_122, %dma_wait3A_123] : memref<4x4x2048x128xf32, #tpu.memory_space<hbm>> -> memref<1x1x2048x128xf32, #tpu.memory_space<hbm>>
        %dma_wait3A_125 = tpu.memref_squeeze %dma_wait3A_124 : memref<1x1x2048x128xf32, #tpu.memory_space<hbm>> -> memref<2048x128xf32, #tpu.memory_space<hbm>>
        tpu.wait_dma2 semaphore(%arg9 : memref<!tpu.dma_semaphore, #tpu.memory_space<semaphore_mem>>) src(%arg7 : memref<2048x128xf32, #tpu.memory_space<vmem>>) dst(%dma_wait3A_125 : memref<2048x128xf32, #tpu.memory_space<hbm>>)
        %dma_wait3A_126 = arith.constant 3 : i32
        %dma_wait3A_127 = arith.constant 0 : i32
        %dma_wait3A_128 = arith.constant 0 : i32
        %dma_wait3A_129 = tpu.memref_slice %arg5[%dma_wait3A_126, %arg0, %dma_wait3A_127, %dma_wait3A_128] : memref<4x4x2048x128xf32, #tpu.memory_space<hbm>> -> memref<1x1x2048x128xf32, #tpu.memory_space<hbm>>
        %dma_wait3A_130 = tpu.memref_squeeze %dma_wait3A_129 : memref<1x1x2048x128xf32, #tpu.memory_space<hbm>> -> memref<2048x128xf32, #tpu.memory_space<hbm>>
        tpu.wait_dma2 semaphore(%arg9 : memref<!tpu.dma_semaphore, #tpu.memory_space<semaphore_mem>>) src(%arg7 : memref<2048x128xf32, #tpu.memory_space<vmem>>) dst(%dma_wait3A_130 : memref<2048x128xf32, #tpu.memory_space<hbm>>)
        %dma_wait3A_131 = arith.constant 0 : i32
        %dma_wait3A_132 = arith.constant 0 : i32
        %dma_wait3A_133 = arith.constant 0 : i32
        %dma_wait3A_134 = tpu.memref_slice %arg5[%dma_wait3A_131, %arg0, %dma_wait3A_132, %dma_wait3A_133] : memref<4x4x2048x128xf32, #tpu.memory_space<hbm>> -> memref<1x1x2048x128xf32, #tpu.memory_space<hbm>>
        %dma_wait3A_135 = tpu.memref_squeeze %dma_wait3A_134 : memref<1x1x2048x128xf32, #tpu.memory_space<hbm>> -> memref<2048x128xf32, #tpu.memory_space<hbm>>
        tpu.wait_dma2 semaphore(%arg8 : memref<!tpu.dma_semaphore, #tpu.memory_space<semaphore_mem>>) src(%arg6 : memref<2048x128xf32, #tpu.memory_space<vmem>>) dst(%dma_wait3A_135 : memref<2048x128xf32, #tpu.memory_space<hbm>>)
        %dma_wait3A_136 = arith.constant 1 : i32
        %dma_wait3A_137 = arith.constant 0 : i32
        %dma_wait3A_138 = arith.constant 0 : i32
        %dma_wait3A_139 = tpu.memref_slice %arg5[%dma_wait3A_136, %arg0, %dma_wait3A_137, %dma_wait3A_138] : memref<4x4x2048x128xf32, #tpu.memory_space<hbm>> -> memref<1x1x2048x128xf32, #tpu.memory_space<hbm>>
        %dma_wait3A_140 = tpu.memref_squeeze %dma_wait3A_139 : memref<1x1x2048x128xf32, #tpu.memory_space<hbm>> -> memref<2048x128xf32, #tpu.memory_space<hbm>>
        tpu.wait_dma2 semaphore(%arg8 : memref<!tpu.dma_semaphore, #tpu.memory_space<semaphore_mem>>) src(%arg6 : memref<2048x128xf32, #tpu.memory_space<vmem>>) dst(%dma_wait3A_140 : memref<2048x128xf32, #tpu.memory_space<hbm>>)
        %dma_wait3A_141 = arith.constant 2 : i32
        %dma_wait3A_142 = arith.constant 0 : i32
        %dma_wait3A_143 = arith.constant 0 : i32
        %dma_wait3A_144 = tpu.memref_slice %arg5[%dma_wait3A_141, %arg0, %dma_wait3A_142, %dma_wait3A_143] : memref<4x4x2048x128xf32, #tpu.memory_space<hbm>> -> memref<1x1x2048x128xf32, #tpu.memory_space<hbm>>
        %dma_wait3A_145 = tpu.memref_squeeze %dma_wait3A_144 : memref<1x1x2048x128xf32, #tpu.memory_space<hbm>> -> memref<2048x128xf32, #tpu.memory_space<hbm>>
        tpu.wait_dma2 semaphore(%arg8 : memref<!tpu.dma_semaphore, #tpu.memory_space<semaphore_mem>>) src(%arg6 : memref<2048x128xf32, #tpu.memory_space<vmem>>) dst(%dma_wait3A_145 : memref<2048x128xf32, #tpu.memory_space<hbm>>)
        %dma_wait3A_146 = arith.constant 3 : i32
        %dma_wait3A_147 = arith.constant 0 : i32
        %dma_wait3A_148 = arith.constant 0 : i32
        %dma_wait3A_149 = tpu.memref_slice %arg5[%dma_wait3A_146, %arg0, %dma_wait3A_147, %dma_wait3A_148] : memref<4x4x2048x128xf32, #tpu.memory_space<hbm>> -> memref<1x1x2048x128xf32, #tpu.memory_space<hbm>>
        %dma_wait3A_150 = tpu.memref_squeeze %dma_wait3A_149 : memref<1x1x2048x128xf32, #tpu.memory_space<hbm>> -> memref<2048x128xf32, #tpu.memory_space<hbm>>
        tpu.wait_dma2 semaphore(%arg8 : memref<!tpu.dma_semaphore, #tpu.memory_space<semaphore_mem>>) src(%arg6 : memref<2048x128xf32, #tpu.memory_space<vmem>>) dst(%dma_wait3A_150 : memref<2048x128xf32, #tpu.memory_space<hbm>>)
      } else {
      }
    } else {
    }
    return
  }
  func.func @transform_0(%arg0: i32) -> (i32, i32, i32) {
    %c0_i32 = arith.constant 0 : i32
    %c0_i32_0 = arith.constant 0 : i32
    %c0_i32_1 = arith.constant 0 : i32
    return %arg0, %c0_i32, %c0_i32_0 : i32, i32, i32
  }
  func.func @transform_1(%arg0: i32) -> (i32, i32) {
    %c0_i32 = arith.constant 0 : i32
    %c0_i32_0 = arith.constant 0 : i32
    %c0_i32_1 = arith.constant 0 : i32
    return %c0_i32, %c0_i32_0 : i32, i32
  }
  func.func @transform_2(%arg0: i32) -> (i32, i32) {
    %c0_i32 = arith.constant 0 : i32
    %c0_i32_0 = arith.constant 0 : i32
    %c0_i32_1 = arith.constant 0 : i32
    return %c0_i32, %c0_i32_0 : i32, i32
  }
  func.func @transform_3(%arg0: i32) -> (i32, i32) {
    %c0_i32 = arith.constant 0 : i32
    %c0_i32_0 = arith.constant 0 : i32
    %c0_i32_1 = arith.constant 0 : i32
    return %c0_i32, %c0_i32_0 : i32, i32
  }
}

</mosaic_0001>

<sc_bundles>
// kernel: kernel.4.cloned.1.call-start
scs
__scs_entry_jumppad:
0x0: {  	(pc) =	sbr.rel $0x88, $3  }
0x1: {  	(tag) =	ssettag $0x0;
	lr =	simm.s32 $0x1  }
0x2: {  	[smem:$0x3F9C] =	sst lr;
	_ =	strace $0xD0000000  }
0x3: {  	_ = 	snop  }
0x4: {  	_ = 	snop  }
0x5: {  	_ = 	snop  }
0x6: {  	_ = 	snop  }
0x7: {  	_ = 	snop  }
__scs_overlays_trampoline_lowered:
0x8: {  	[smem:$0x3FAB] =	sst s0  }
0x9: {  	[smem:$0x3FAC] =	sst s1  }
0xa: {  	[smem:$0x3FAD] =	sst s2  }
0xb: {  	[smem:$0x3FAE] =	sst s3  }
0xc: {  	[smem:$0x3FAF] =	sst s4  }
0xd: {  	[smem:$0x3FB0] =	sst s5  }
0xe: {  	[smem:$0x3FB1] =	sst s6  }
0xf: {  	[smem:$0x3FB2] =	sst s7  }
0x10: {  	[smem:$0x3FB3] =	sst s8  }
0x11: {  	[smem:$0x3FB4] =	sst s9;
	s0 =	simm.s32 @!p0 $0x0  }
0x12: {  	s1 =	sld [smem:$0x3F9A];
	s0 =	simm.s32 @p0 $0x1  }
0x13: {  	[smem:$0x3FB5] =	sst s0;
	s0 =	simm.s32 @!p1 $0x0  }
0x14: {  	s2 =	sld [smem:$0x3F99];
	s0 =	simm.s32 @p1 $0x1  }
0x15: {  	[smem:$0x3FB6] =	sst s0;
	s0 =	simm.s32 @!p2 $0x0  }
0x16: {  	s3 =	sld [smem:$0x3FDB];
	s0 =	simm.s32 @p2 $0x1  }
0x17: {  	s4 =	simm.s32 $0x1BF5;
	[smem:$0x3FB8] =	sst s0  }
0x18: {  	s0 =	sld [smem:$0x3F9B];
	_ =	swait.ge [sflag:s4], $0x0  }
0x19: {  	s7 =	sld [smem:$0x3F9C]  }
0x1a: {  	s8 =	sadd.s32 $0xFFFFE003, lr  }
0x1b: {  	s9 =	sadd.s32 $0xFFFFFEF7, lr;
	s5 =	simm.s32 $0xFFFFFFFF;
	p2 =	slt.u32 s8, $0xFFFFF086  }
0x1c: {  	p1 =	slt.u32 s9, $0xF7A;
	s5 =	simm.s32 @!p2 $0x0  }
0x1d: {  	s5 =	simm.s32 @p1 $0x1;
	p0 =	seq.s32 s7, s2  }
0x1e: {  	s7 =	smul.u32 @!p0 $0xF7A, s2;
	p2 =	seq.s32 @!p0 s5, $0x0  }
0x1f: {  	s9 =	smul.u32 $0xF7A, s1;
	s8 =	simm.s32 @!p0 $0x1BF5;
	p2 =	por !p2, p0  }
0x20: {  	[sflag:s8] =	ssyncset.s32 @!p0 $0xFFFFF086;
	s6 =	sadd.s32 @!p0 s3, s7;
	s7 =	simm.s32 @!p0 $0x108  }
0x21: {  	s3 =	sadd.s32 s3, s9;
	s6 =	sadd.s32 @!p0 $0x88, s6;
	s7 =	simm.s32 @p2 $0x1082  }
0x22: {  	[simem:s7], [sflag:s8] =	dma.local @!p0 [hbm:s6], $0xF7A  }
0x23: {  	s9 =	sor.u32 $0xD0000000, s2;
	s6 =	simm.s32 $0x108;
	_ =	swait.ge @!p0 [sflag:s8], $0x0  }
0x24: {  	s3 =	sadd.s32 $0x88, s3;
	s6 =	simm.s32 @!p1 $0x1082;
	[sflag:s4] =	ssyncset.s32 $0xFFFFF086  }
0x25: {  	[simem:s6], [sflag:s4] =	dma.local [hbm:s3], $0xF7A  }
0x26: {  	[smem:$0x3F9C] =	sst s1;
	(tag) =	ssettag s2;
	_ =	strace s9  }
0x27: {  	s1 =	sld [smem:$0x3FAC]  }
0x28: {  	s2 =	sld [smem:$0x3FAD]  }
0x29: {  	s4 =	sld [smem:$0x3FAF]  }
0x2a: {  	p0 =	seq.s32 s5, $0x0;
	s5 =	sld [smem:$0x3FB0]  }
0x2b: {  	s6 =	sld [smem:$0x3FB1]  }
0x2c: {  	s7 =	sld [smem:$0x3FB2]  }
0x2d: {  	s3 =	simm.s32 $0x108;
	s8 =	sld [smem:$0x3FB3]  }
0x2e: {  	s3 =	simm.s32 @!p0 $0x1082;
	s9 =	sld [smem:$0x3FB4]  }
0x2f: {  	lr =	sadd.s32 s0, s3;
	s0 =	sld [smem:$0x3FAB]  }
0x30: {  	s3 =	sld [smem:$0x3FAE]  }
0x31: {  	[smem:$0x3FB7] =	sst s10  }
0x32: {  	s10 =	sld [smem:$0x3FB5];
	_ =	sdelay $0x3  }
0x33: {  	p0 =	seq.s32 s10, $0x1;
	s10 =	sld [smem:$0x3FB7];
	_ =	sdelay $0x3  }
0x34: {  	[smem:$0x3FB7] =	sst s10  }
0x35: {  	s10 =	sld [smem:$0x3FB6];
	_ =	sdelay $0x3  }
0x36: {  	p1 =	seq.s32 s10, $0x1;
	s10 =	sld [smem:$0x3FB7];
	_ =	sdelay $0x3  }
0x37: {  	[smem:$0x3FB7] =	sst s10  }
0x38: {  	s10 =	sld [smem:$0x3FB8]  }
0x39: {  	_ = 	snop;
	(pc) =	sbr.ind lr, $3  }
0x3a: {  	_ = 	snop  }
0x3b: {  	_ = 	snop  }
0x3c: {  	p2 =	seq.s32 s10, $0x1;
	s10 =	sld [smem:$0x3FB7]  }
0x3d: {  	_ =	shalt  }
0x3e: {  	_ =	shalt  }
0x3f: {  	_ =	shalt  }
0x40: {  	_ =	shalt  }
0x41: {  	_ =	shalt  }
0x42: {  	_ =	shalt  }
0x43: {  	_ =	shalt  }
0x44: {  	_ =	shalt  }
0x45: {  	_ =	shalt  }
0x46: {  	_ =	shalt  }
0x47: {  	_ =	shalt  }
0x48: {  	_ =	shalt  }
0x49: {  	_ =	shalt  }
0x4a: {  	_ =	shalt  }
0x4b: {  	_ =	shalt  }
0x4c: {  	_ =	shalt  }
0x4d: {  	_ =	shalt  }
0x4e: {  	_ =	shalt  }
0x4f: {  	_ =	shalt  }
0x50: {  	_ =	shalt  }
0x51: {  	_ =	shalt  }
0x52: {  	_ =	shalt  }
0x53: {  	_ =	shalt  }
0x54: {  	_ =	shalt  }
0x55: {  	_ =	shalt  }
0x56: {  	_ =	shalt  }
0x57: {  	_ =	shalt  }
0x58: {  	_ =	shalt  }
0x59: {  	_ =	shalt  }
0x5a: {  	_ =	shalt  }
0x5b: {  	_ =	shalt  }
0x5c: {  	_ =	shalt  }
0x5d: {  	_ =	shalt  }
0x5e: {  	_ =	shalt  }
0x5f: {  	_ =	shalt  }
0x60: {  	_ =	shalt  }
0x61: {  	_ =	shalt  }
0x62: {  	_ =	shalt  }
0x63: {  	_ =	shalt  }
0x64: {  	_ =	shalt  }
0x65: {  	_ =	shalt  }
0x66: {  	_ =	shalt  }
0x67: {  	_ =	shalt  }
0x68: {  	_ =	shalt  }
0x69: {  	_ =	shalt  }
0x6a: {  	_ =	shalt  }
0x6b: {  	_ =	shalt  }
0x6c: {  	_ =	shalt  }
0x6d: {  	_ =	shalt  }
0x6e: {  	_ =	shalt  }
0x6f: {  	_ =	shalt  }
0x70: {  	_ =	shalt  }
0x71: {  	_ =	shalt  }
0x72: {  	_ =	shalt  }
0x73: {  	_ =	shalt  }
0x74: {  	_ =	shalt  }
0x75: {  	_ =	shalt  }
0x76: {  	_ =	shalt  }
0x77: {  	_ =	shalt  }
0x78: {  	_ =	shalt  }
0x79: {  	_ =	shalt  }
0x7a: {  	_ =	shalt  }
0x7b: {  	_ =	shalt  }
0x7c: {  	_ =	shalt  }
0x7d: {  	_ =	shalt  }
0x7e: {  	_ =	shalt  }
0x7f: {  	_ =	shalt  }
0x80: {  	_ =	shalt  }
0x81: {  	_ =	shalt  }
0x82: {  	_ =	shalt  }
0x83: {  	_ =	shalt  }
0x84: {  	_ =	shalt  }
0x85: {  	_ =	shalt  }
0x86: {  	_ =	shalt  }
0x87: {  	_ =	shalt  }
.Lfunc_end0:
.L_simem_size_0:
called_computation_lowered:
.L_overlay_start_0:
0x88: {  	s2 =	sld [smem:$0x3FD9]  }
0x89: {  	s3 =	sld [smem:$0x3FFE];
	_ =	sdelay $0x1  }
0x8a: {  	s1 =	srdreg.scid  }
0x8b: {  	s0 =	sand.u32 $0x1, s1  }
0x8c: {  	s18 =	sshll.u32 s0, $0xA;
	s2 =	sadd.s32 s3, s2  }
0x8d: {  	s2 =	sadd.s32 s2, s18  }
0x8e: {  	[smem:$0x3FC3] =	sst s2  }
0x8f: {  	_ = 	snop  }
0x90: {  	s2 =	sld [smem:$0x3FC9]  }
0x91: {  	s19 =	sld [smem:$0x3FC8]  }
0x92: {  	s4 =	sld [smem:$0x3FD0];
	(tm) =	ssettm $0x1  }
0x93: {  	s5 =	sld [smem:$0x3FFB];
	_ =	sdelay $0x3  }
0x94: {  	_ =	strace s5  }
0x95: {  	s5 =	sld [smem:$0x3FFC];
	_ =	sdelay $0x3  }
0x96: {  	_ =	strace s5  }
0x97: {  	s5 =	sld [smem:$0x3FFD];
	_ =	sdelay $0x3  }
0x98: {  	_ =	strace s5  }
0x99: {  	_ =	strace $0x8FFFFFFF  }
0x9a: {  	s20 =	sld [smem:$0x3FDB];
	_ =	sdelay $0x1  }
0x9b: {  	s6 =	simm.s32 $_scs_section_size  }
0x9c: {  	s7 =	simm.s32 $_size__tile_overlayer_lowered;
	s8 =	simm.s32 $_tile_overlayer_lowered  }
0x9d: {  	s23 =	simm.s32 $0x1BFF;
	s22 =	sshll.u32 s8, $0x1;
	s5 =	sadd.s32 s6, s20  }
0x9e: {  	s9 =	simm.s32 $0x0;
	s21 =	sshll.u32 s7, $0x1;
	s7 =	sadd.s32 s22, s5  }
0x9f: {  	[timem:s9], [sflag:s23] =	dma.local [hbm:s7], s21  }
0xa0: {  	_ =	swait.ge [sflag:s23], s21  }
0xa1: {  	s6 =	ssub.s32 $0x0, s21;
	[sflag:s23] =	ssyncset.done $0x0  }
0xa2: {  	[sflag:s23] =	ssyncadd.s32 s6;
	_ =	sdelay $0x1  }
0xa3: {  	s24 =	simm.s32 $0x1B8B  }
0xa4: {  	_ =	swait.ge [sflag:s24], $0x1  }
0xa5: {  	[sflag:s24] =	ssyncset.done $0x0  }
0xa6: {  	s25 =	simm.s32 $0x1B8E;
	[sflag:s24] =	ssyncadd.s32 $0xFFFFFFFF  }
0xa7: {  	s26 =	simm.s32 $execute0_lowered;
	[smem:$0x3FD2] =	sst s25  }
0xa8: {  	s6 =	sshll.u32 s26, $0x1;
	_ =	strace $0x80000046;
	[dreg:$0x1] =	wrdreg $0xFFFFFFFF  }
0xa9: {  	s28 =	simm.s32 $_size_execute0_lowered;
	s5 =	sadd.s32 s5, s6;
	[dreg:$0x0] =	wrdreg $0x0  }
0xaa: {  	s6 =	sshll.u32 s28, $0x1;
	[dreg:$0x2] =	wrdreg s5  }
0xab: {  	[dreg:$0x3] =	wrdreg s6  }
0xac: {  	[dreg:$0x4] =	wrdreg $0xC0  }
0xad: {  	_ =	task [dreg:s9], $0x5FFFF  }
0xae: {  	[dreg:$0x1] =	wrdreg $0xFFFFFFFF  }
0xaf: {  	[dreg:$0x0] =	wrdreg $0x60  }
0xb0: {  	[dreg:$0x2] =	wrdreg s19  }
0xb1: {  	[dreg:$0x3] =	wrdreg s2  }
0xb2: {  	[dreg:$0x4] =	wrdreg s4  }
0xb3: {  	[dreg:$0x5] =	wrdreg $0x9  }
0xb4: {  	_ =	task.clear_ibuf [dreg:s9], $0x6FFFF;
	_ =	strace $0x90000046  }
0xb5: {  	s29 =	simm.s32 $0x9;
	_ =	strace $0x80000048  }
0xb6: {  	_ =	swait.ge [sflag:s29], $0x1  }
0xb7: {  	[sflag:s29] =	ssyncadd.s32 $0xFFFFFFFF  }
0xb8: {  	_ =	strace $0x90000048  }
0xb9: {  	_ =	sfence  }
0xba: {  	s30 =	sld [smem:$0x0];
	_ =	sdelay $0x2  }
0xbb: {  	s31 =	sshll.u32 s1, $0xD;
	s1 =	sshrl.u32 s1, $0x2  }
0xbc: {  	s3 =	sand.u32 $0x4000, s31;
	s1 =	sadd.s32 s1, s30  }
0xbd: {  	s0 =	sor.u32 s3, s0;
	s1 =	sshll.u32 s1, $0x11  }
0xbe: {  	s0 =	sor.u32 s1, s0  }
0xbf: {  	s0 =	sadd.s32 $0x8F2B, s0  }
0xc0: {  	[sflag:s0] =	ssyncadd.remote.s32 $0x1  }
0xc1: {  	_ =	sfence.sel $0xFFFF  }
0xc2: {  	[dreg:$0x0] =	wrdreg $0xFFFFFFFF;
	(pc) =	sbr.abs _section_cstart, $3  }
0xc3: {  	[dreg:$0x1] =	wrdreg $0xFFFFFFFF  }
0xc4: {  	_ =	task.clear_ibuf [dreg:s9], $0x2FFFF;
	_ =	strace $0x9FFFFFFF  }
0xc5: {  	(tm) =	ssettm $0x7FFFFFFF  }
tec
execute0_lowered:
.L_overlay_start_1:
0x0: {  	(tag) =	ssettag $0x1  }
0x1: {  	s2 =	rddreg [dreg:$0x0]  }
0x2: {  	s4 =	rddreg [dreg:$0x1];
	s1 =	srdreg.scid  }
0x3: {  	s0 =	stileid.u32;
	s11 =	rddreg [dreg:$0x2];
	s7 =	simm.s32 $0x4  }
0x4: {  	s13 =	sand.u32 $0x1, s1;
	s3 =	sshll.u32 s0, $0x1;
	s1 =	rddreg [dreg:$0x3]  }
0x5: {  	s5 =	sshll.u32 s0, $0x2;
	s12 =	sor.u32 s13, s3;
	s3 =	simm.s32 $0x0  }
0x6: {  	s5 =	sand.u32 $0x30, s5;
	s6 =	sshll.u32 s12, $0x7;
	[smem:$0x7FF] =	sst s3  }
0x7: {  	s4 =	sadd.s32 s4, s5;
	s5 =	simm.s32 $0x80;
	s6 =	sand.u32 $0x380, s6  }
0x8: {  	_ =	strace $0x80000047;
	s4 =	sadd.s32 s6, s4;
	s6 =	simm.s32 $0x200  }
0x9: {  	[tilespmem:s3], [sflag:$0x4] =	stream.strided.gather [hbm4b:s4+s5], $0x100, s6, s5, $0x38;
	[tilespmem:$0x8100] =	vst v63  }
0xa: {  	_ =	swait.ge [sflag:s7], $0x100  }
0xb: {  	[sflag:s7] =	ssyncset.done $0x0  }
0xc: {  	s8 =	simm.s32 $0x100;
	[sflag:s7] =	ssyncadd.s32 $0xFFFFFF00  }
0xd: {  	[tilespmem:s8], [sflag:$0x1] =	stream.indirect.gather [hbm4b:s2+s5], $0x80, s3, s5, $0xb8;
	[tilespmem:$0x8100] =	vst v63  }
0xe: {  	s9 =	simm.s32 $0x4100;
	s10 =	simm.s32 $0x1  }
0xf: {  	[tilespmem:s9], [sflag:$0x2] =	stream.indirect.gather [hbm4b:s2+s5], $0x80, s5, s5, $0xb8;
	[tilespmem:$0x8100] =	vst v63  }
0x10: {  	s14 =	ssub.s32 $0x2, s13;
	_ =	swait.ge [sflag:s10], $0x4000  }
0x11: {  	s12 =	sshll.u32 s12, $0xC;
	s15 =	sshrl.u32 s14, $0x1;
	[sflag:s10] =	ssyncset.done $0x0  }
0x12: {  	s11 =	sadd.s32 s11, s12;
	s12 =	simm.s32 $0x2;
	[sflag:s10] =	ssyncadd.s32 $0xFFFFC000  }
0x13: {  	[hbm4b:s11+s3] =	stream.linear.scatter [tilespmem:s8], [sflag:$0x3], $0x4000, $0x38;
	[tilespmem:$0x8100] =	vst v63  }
0x14: {  	s14 =	ssub.s32 s14, s15;
	_ =	swait.ge [sflag:s12], $0x4000  }
0x15: {  	s15 =	smax.u32 s14, $0x1;
	[sflag:s12] =	ssyncset.done $0x0  }
0x16: {  	s13 =	sadd.s32 $0x800, s11;
	p0 =	sne.s32 s15, $0x1;
	[sflag:s12] =	ssyncadd.s32 $0xFFFFC000  }
0x17: {  	[hbm4b:s13+s3] =	stream.linear.scatter [tilespmem:s9], [sflag:$0x4], $0x4000, $0x38;
	[tilespmem:$0x8100] =	vst v63  }
.Ltmp0:
0x18: {  	_ =	swait.ge [sflag:s7], $0x4000;
	(pc) =	sbr.rel @!p0 .LBB2_2-.Ltmp0, $4  }
0x19: {  	[sflag:s7] =	ssyncset.done $0x0  }
0x1a: {  	s14 =	simm.s32 $0x3;
	[sflag:s7] =	ssyncadd.s32 $0xFFFFC000  }
0x1b: {  	_ =	swait.ge [sflag:s14], $0x4000  }
0x1c: {  	s15 =	sadd.s32 $0xFFFFFFFF, s15;
	[sflag:s14] =	ssyncset.done $0x0  }
.LBB2_1:
0x1d: {  	p0 =	sne.s32 s15, $0x1;
	s15 =	sadd.s32 $0xFFFFFFFF, s15;
	[sflag:s14] =	ssyncadd.s32 $0xFFFFC000  }
0x1e: {  	[tilespmem:s3], [sflag:$0x4] =	stream.strided.gather [hbm4b:s4+s5], $0x100, s6, s5, $0x38;
	[tilespmem:$0x8100] =	vst v63  }
0x1f: {  	_ =	swait.ge [sflag:s7], $0x100  }
0x20: {  	[sflag:s7] =	ssyncset.done $0x0  }
0x21: {  	[sflag:s7] =	ssyncadd.s32 $0xFFFFFF00  }
0x22: {  	[tilespmem:s8], [sflag:$0x1] =	stream.indirect.gather [hbm4b:s2+s5], $0x80, s3, s5, $0xb8;
	[tilespmem:$0x8100] =	vst v63  }
0x23: {  	_ = 	snop  }
0x24: {  	[tilespmem:s9], [sflag:$0x2] =	stream.indirect.gather [hbm4b:s2+s5], $0x80, s5, s5, $0xb8;
	[tilespmem:$0x8100] =	vst v63  }
0x25: {  	_ =	swait.ge [sflag:s10], $0x4000  }
0x26: {  	[sflag:s10] =	ssyncset.done $0x0  }
0x27: {  	[sflag:s10] =	ssyncadd.s32 $0xFFFFC000  }
0x28: {  	[hbm4b:s11+s3] =	stream.linear.scatter [tilespmem:s8], [sflag:$0x3], $0x4000, $0x38;
	[tilespmem:$0x8100] =	vst v63  }
0x29: {  	_ =	swait.ge [sflag:s12], $0x4000  }
0x2a: {  	[sflag:s12] =	ssyncset.done $0x0  }
0x2b: {  	[sflag:s12] =	ssyncadd.s32 $0xFFFFC000  }
0x2c: {  	[hbm4b:s13+s3] =	stream.linear.scatter [tilespmem:s9], [sflag:$0x4], $0x4000, $0x38;
	[tilespmem:$0x8100] =	vst v63  }
.Ltmp1:
0x2d: {  	_ =	swait.ge [sflag:s7], $0x4000;
	(pc) =	sbr.rel @p0 .LBB2_1-.Ltmp1, $4  }
0x2e: {  	[sflag:s7] =	ssyncset.done $0x0  }
0x2f: {  	[sflag:s7] =	ssyncadd.s32 $0xFFFFC000  }
0x30: {  	_ =	swait.ge [sflag:s14], $0x4000  }
0x31: {  	[sflag:s14] =	ssyncset.done $0x0  }
.LBB2_2:
0x32: {  	[sflag:s14] =	ssyncadd.s32 $0xFFFFC000  }
0x33: {  	_ =	sfence.sel $0x180000  }
0x34: {  	[bflag:$0x0] =	sbarrier.arrive $0xFFFF  }
0x35: {  	p0 =	sne.s32 s0, $0x0;
	_ =	strace $0x90000047  }
0x36: {  	s0 =	sadd.s32 @!p0 $0x100000, s1;
	[bflag:$0x2] =	sbarrier.arrive $0xFFFF  }
0x37: {  	[sflag:s0] =	ssyncadd.tile.s32 @!p0 $0x1;
	_ =	shalt  }
.Lfunc_end2:
_tile_overlayer_lowered:
.L_overlay_start_2:
0x38: {  	(tag) =	ssettag $0x2  }
0x39: {  	s0 =	rddreg [dreg:$0x0];
	s2 =	stileid.u32  }
0x3a: {  	s1 =	rddreg [dreg:$0x1];
	p0 =	sne.s32 s2, $0x0  }
0x3b: {  	s3 =	rddreg [dreg:$0x2];
	[bflag:$0x3] =	sbarrier.arrive $0xFFFF;
	s2 =	simm.s32 @!p0 $0x1C04  }
0x3c: {  	[timem:s3], [sflag:s2] =	dma.local @!p0 [hbm:s0], s1  }
0x3d: {  	s0 =	simm.s32 @!p0 $0x4  }
0x3e: {  	_ =	swait.ge @!p0 [sflag:s0], s1  }
0x3f: {  	s1 =	ssub.s32 @!p0 $0x0, s1;
	[sflag:s0] =	ssyncset.done @!p0 $0x0  }
0x40: {  	[sflag:s0] =	ssyncadd.s32 @!p0 s1  }
0x41: {  	[bflag:$0x3] =	sbarrier.arrive $0xFFFF  }
0x42: {  	_ =	shalt  }

</sc_bundles>
